<compile_context>
chip_gen: v7x
topology: tpu7x:2x2x1
jax: 0.10.2.dev20260603
libtpu: 0.0.44.dev20260713+nightly
codegen_flags: <defaults>
</compile_context>

<pallas_src>
import functools

import jax
import jax.numpy as jnp
from jax import lax
from jax.experimental import pallas as pl
from jax.experimental.pallas import tpu as pltpu
from jax.experimental.pallas import tpu_sc as plsc

N = 10000
E = 320000
D_FEAT = 128
D_EDGE = 16

NC = 2
NS = 16
NW = NC * NS
EPW = E // NW
CHUNK = 2000
NCHUNK = EPW // CHUNK
NPAD = 10240
ROWS_PER_TILE = NPAD // NS

_mesh = plsc.VectorSubcoreMesh(
    core_axis_name="c", subcore_axis_name="s", num_cores=NC, num_subcores=NS
)


@functools.partial(
    pl.kernel,
    out_type=jax.ShapeDtypeStruct((NC, NPAD, D_EDGE), jnp.float32),
    mesh=_mesh,
    compiler_params=pltpu.CompilerParams(use_tc_tiling_on_sc=False),
    scratch_types=[
        pltpu.VMEM_SHARED((NPAD, D_EDGE), jnp.float32),
        pltpu.VMEM((EPW,), jnp.int32),
        pltpu.VMEM((CHUNK, D_EDGE), jnp.float32),
        pltpu.VMEM((CHUNK, D_EDGE), jnp.float32),
        pltpu.VMEM((ROWS_PER_TILE, D_EDGE), jnp.float32),
        pltpu.SemaphoreType.DMA,
        pltpu.SemaphoreType.DMA,
    ],
)
def _sc_scatter(edge_hbm, idx_hbm, out_hbm, acc, idx_v, ebufa, ebufb, zbuf, sema, semb):
    cid = lax.axis_index("c")
    sid = lax.axis_index("s")
    wid = sid * NC + cid
    ebase = wid * EPW

    @pl.loop(0, ROWS_PER_TILE)
    def _zero(i):
        zbuf[i, :] = jnp.zeros((D_EDGE,), jnp.float32)

    pltpu.sync_copy(zbuf, acc.at[pl.ds(sid * ROWS_PER_TILE, ROWS_PER_TILE)])
    plsc.subcore_barrier()

    pltpu.sync_copy(idx_hbm.at[pl.ds(ebase, EPW)], idx_v)

    bufs = (ebufa, ebufb)
    sems = (sema, semb)
    cps = [None, None]
    for j in range(NCHUNK + 1):
        if j < NCHUNK:
            cps[j % 2] = pltpu.async_copy(
                edge_hbm.at[pl.ds(ebase + j * CHUNK, CHUNK)], bufs[j % 2], sems[j % 2]
            )
        if j >= 1:
            k = j - 1
            cps[k % 2].wait()
            pltpu.sync_copy(
                bufs[k % 2], acc.at[idx_v.at[pl.ds(k * CHUNK, CHUNK)]], add=True
            )

    plsc.subcore_barrier()

    rows = pl.ds(sid * ROWS_PER_TILE, ROWS_PER_TILE)
    pltpu.sync_copy(acc.at[rows], zbuf)
    pltpu.sync_copy(zbuf, out_hbm.at[cid, rows])


_RB = 1000


def _dense_body(x_ref, p0_ref, p1_ref, wx_ref, wa_ref, b_ref, o_ref):
    agg = p0_ref[...] + p1_ref[...]
    o_ref[...] = (
        jnp.dot(x_ref[...], wx_ref[...], preferred_element_type=jnp.float32)
        + jnp.dot(agg, wa_ref[...], preferred_element_type=jnp.float32)
        + b_ref[...]
    )


_dense = pl.pallas_call(
    _dense_body,
    grid=(N // _RB,),
    in_specs=[
        pl.BlockSpec((_RB, D_FEAT), lambda i: (i, 0)),
        pl.BlockSpec((_RB, D_EDGE), lambda i: (i, 0)),
        pl.BlockSpec((_RB, D_EDGE), lambda i: (i, 0)),
        pl.BlockSpec((D_FEAT, D_FEAT), lambda i: (0, 0)),
        pl.BlockSpec((D_EDGE, D_FEAT), lambda i: (0, 0)),
        pl.BlockSpec((1, D_FEAT), lambda i: (0, 0)),
    ],
    out_specs=pl.BlockSpec((_RB, D_FEAT), lambda i: (i, 0)),
    out_shape=jax.ShapeDtypeStruct((N, D_FEAT), jnp.float32),
)


def kernel(x, edge_index, edge_attr, pos, W, b):
    recv = edge_index[1]
    partials = _sc_scatter(edge_attr, recv)
    x_ = _dense(
        x,
        partials[0],
        partials[1],
        W[:D_FEAT],
        W[D_FEAT:],
        b.reshape(1, D_FEAT),
    )
    return (x_, edge_attr, edge_index, pos)

# --- scband reference (transcript-rebuilt; emitter-appended) ---
"""Pipeline reference for scband-node-block-88734024336033 (READ-ONLY COPY).

The authoritative reference and input builder live on the scoring server;
editing this copy changes nothing except your own understanding.
"""

import jax, jax.numpy as jnp
import numpy as np

N = 10000
E = 320000
D_FEAT = 128
D_EDGE = 16


def setup_inputs(seed: int = 0) -> dict:
    key = jax.random.key(seed)
    k1, k2, k3, k4, k5 = jax.random.split(key, 5)
    x = jax.random.normal(k1, (N, D_FEAT), dtype=jnp.float32)
    edge_index = jax.random.randint(k2, (2, E), 0, N, dtype=jnp.int32)
    edge_attr = jax.random.normal(k3, (E, D_EDGE), dtype=jnp.float32)
    pos = jax.random.normal(k4, (N, 3), dtype=jnp.float32)
    # model_fn parameters: Linear(d_feat + d_edge -> d_feat)
    fan_in = D_FEAT + D_EDGE
    W = jax.random.normal(k5, (fan_in, D_FEAT), dtype=jnp.float32) * (1.0 / np.sqrt(fan_in))
    b = jnp.zeros((D_FEAT,), dtype=jnp.float32)
    return {"x": x, "edge_index": edge_index, "edge_attr": edge_attr, "pos": pos, "W": W, "b": b}


def reference(x, edge_index, edge_attr, pos, W, b):
    # receivers_index = graph.edge_index[1]
    receivers_index = edge_index[1]
    # scatter_add(edge_attr, receivers_index, dim=0, dim_size=num_nodes)
    agrr_edge_features = jax.ops.segment_sum(edge_attr, receivers_index, num_segments=x.shape[0])
    # node_inputs = cat([x, aggregated], dim=1)
    node_inputs = jnp.concatenate([x, agrr_edge_features], axis=1)
    # x_ = model_fn(node_inputs)  (Linear)
    x_ = node_inputs @ W + b
    # Data(x=x_, edge_attr=edge_attr, edge_index=edge_index, pos=pos)
    return (x_, edge_attr, edge_index, pos)

if __name__ == "__main__":
    import jax
    _d = setup_inputs()
    print(jax.jit(kernel)(*tuple(_d.values())))

</pallas_src>

<mosaic_0001>
#map = affine_map<(d0, d1) -> (0, 0)>
#map1 = affine_map<(d0, d1) -> (0)>
#map2 = affine_map<(d0, d1) -> (0, 0, 0)>
module attributes {stable_mosaic.version = 14 : i64} {
  func.func @_sc_scatter(%arg0: i32, %arg1: i32, %arg2: memref<320000x16xf32, #tpu.memory_space<hbm>>, %arg3: memref<320000xi32, #tpu.memory_space<hbm>>, %arg4: memref<2x10240x16xf32, #tpu.memory_space<hbm>>, %arg5: memref<10240x16xf32, #tpu.memory_space<vmem_shared>>, %arg6: memref<10000xi32, #tpu.memory_space<vmem>>, %arg7: memref<2000x16xf32, #tpu.memory_space<vmem>>, %arg8: memref<2000x16xf32, #tpu.memory_space<vmem>>, %arg9: memref<640x16xf32, #tpu.memory_space<vmem>>, %arg10: memref<!tpu.dma_semaphore, #tpu.memory_space<semaphore_mem>>, %arg11: memref<!tpu.dma_semaphore, #tpu.memory_space<semaphore_mem>>) attributes {dimension_semantics = [#tpu.dimension_semantics<core_parallel>, #tpu.dimension_semantics<subcore_parallel>], iteration_bounds = array<i64: 2, 16>, scalar_prefetch = 0 : i64, scratch_operands = 7 : i64, tpu.core_type = #tpu.core_type<sc_vector_subcore>, window_params = [{transform_indices = #map}, {transform_indices = #map1}, {transform_indices = #map2}]} {
    %mul3A = arith.constant 2 : i32
    %mul3A_0 = arith.muli %arg1, %mul3A : i32
    %add3A = arith.addi %mul3A_0, %arg0 : i32
    %mul3A_1 = arith.constant 10000 : i32
    %mul3A_2 = arith.muli %add3A, %mul3A_1 : i32
    %scan3A = arith.constant 0 : i32
    %scan3A_3 = arith.constant 640 : i32
    %scan3A_4 = arith.addi %scan3A, %scan3A_3 : i32
    %scan3A_5 = arith.constant 1 : i32
    scf.for %scan3A_60 = %scan3A to %scan3A_4 step %scan3A_5  : i32 {
      %mul3A_61 = arith.constant 1 : i32
      %mul3A_62 = arith.muli %scan3A_60, %mul3A_61 : i32
      %add3A_63 = arith.constant 0 : i32
      %add3A_64 = arith.addi %add3A_63, %mul3A_62 : i32
      %broadcast_in_dim3A = arith.constant 0.000000e+00 : f32
      %broadcast_in_dim3A_65 = vector.broadcast %broadcast_in_dim3A : f32 to vector<16xf32>
      %swap3A = arith.index_cast %add3A_64 : i32 to index
      %swap3A_66 = arith.constant 0 : index
      %swap3A_67 = tpu.vector_load %arg9[%swap3A, %swap3A_66] {strides = array<i32>} : memref<640x16xf32, #tpu.memory_space<vmem>>, vector<1x16xf32>,
      %swap3A_68 = vector.shape_cast %swap3A_67 : vector<1x16xf32> to vector<16xf32>
      %swap3A_69 = vector.shape_cast %broadcast_in_dim3A_65 : vector<16xf32> to vector<1x16xf32>
      tpu.vector_store %arg9[%swap3A, %swap3A_66], %swap3A_69 {strides = array<i32>} : memref<640x16xf32, #tpu.memory_space<vmem>>, vector<1x16xf32>,
    }
    %scan3A_6 = arith.constant 640 : i32
    %mul3A_7 = arith.constant 640 : i32
    %mul3A_8 = arith.muli %arg1, %mul3A_7 : i32
    "tpu.region"() ({
      %run_scoped3A = tpu.sem_alloc : memref<!tpu.dma_semaphore, #tpu.memory_space<semaphore_mem>>
      %dma_start3A_60 = arith.constant 0 : i32
      %dma_start3A_61 = tpu.memref_slice %arg5[%mul3A_8, %dma_start3A_60] : memref<10240x16xf32, #tpu.memory_space<vmem_shared>> -> memref<640x16xf32, #tpu.memory_space<vmem_shared>>
      %dma_start3A_62 = arith.constant 0 : i32
      %dma_start3A_63 = tpu.memref_slice %arg5[%mul3A_8, %dma_start3A_62] : memref<10240x16xf32, #tpu.memory_space<vmem_shared>> -> memref<640x16xf32, #tpu.memory_space<vmem_shared>>
      tpu.enqueue_dma source(%arg9 : memref<640x16xf32, #tpu.memory_space<vmem>>) target(%dma_start3A_63 : memref<640x16xf32, #tpu.memory_space<vmem_shared>>) target_semaphore(%run_scoped3A : memref<!tpu.dma_semaphore, #tpu.memory_space<semaphore_mem>>)
      %dma_wait3A_64 = arith.constant 0 : i32
      %dma_wait3A_65 = tpu.memref_slice %arg5[%mul3A_8, %dma_wait3A_64] : memref<10240x16xf32, #tpu.memory_space<vmem_shared>> -> memref<640x16xf32, #tpu.memory_space<vmem_shared>>
      %dma_wait3A_66 = arith.constant 0 : i32
      %dma_wait3A_67 = tpu.memref_slice %arg5[%mul3A_8, %dma_wait3A_66] : memref<10240x16xf32, #tpu.memory_space<vmem_shared>> -> memref<640x16xf32, #tpu.memory_space<vmem_shared>>
      tpu.wait_dma2 semaphore(%run_scoped3A : memref<!tpu.dma_semaphore, #tpu.memory_space<semaphore_mem>>) src(%arg9 : memref<640x16xf32, #tpu.memory_space<vmem>>) dst(%dma_wait3A_67 : memref<640x16xf32, #tpu.memory_space<vmem_shared>>)
      tpu.yield
    }) : () -> ()
    %barrier3A = arith.constant 0 : index
    tpu.barrier barrier_id(%barrier3A)
    "tpu.region"() ({
      %run_scoped3A = tpu.sem_alloc : memref<!tpu.dma_semaphore, #tpu.memory_space<semaphore_mem>>
      %dma_start3A_60 = tpu.memref_slice %arg3[%mul3A_2] : memref<320000xi32, #tpu.memory_space<hbm>> -> memref<10000xi32, #tpu.memory_space<hbm>>
      %dma_start3A_61 = tpu.memref_slice %arg3[%mul3A_2] : memref<320000xi32, #tpu.memory_space<hbm>> -> memref<10000xi32, #tpu.memory_space<hbm>>
      tpu.enqueue_dma source(%dma_start3A_61 : memref<10000xi32, #tpu.memory_space<hbm>>) target(%arg6 : memref<10000xi32, #tpu.memory_space<vmem>>) target_semaphore(%run_scoped3A : memref<!tpu.dma_semaphore, #tpu.memory_space<semaphore_mem>>)
      %dma_wait3A_62 = tpu.memref_slice %arg3[%mul3A_2] : memref<320000xi32, #tpu.memory_space<hbm>> -> memref<10000xi32, #tpu.memory_space<hbm>>
      %dma_wait3A_63 = tpu.memref_slice %arg3[%mul3A_2] : memref<320000xi32, #tpu.memory_space<hbm>> -> memref<10000xi32, #tpu.memory_space<hbm>>
      tpu.wait_dma2 semaphore(%run_scoped3A : memref<!tpu.dma_semaphore, #tpu.memory_space<semaphore_mem>>) src(%dma_wait3A_63 : memref<10000xi32, #tpu.memory_space<hbm>>) dst(%arg6 : memref<10000xi32, #tpu.memory_space<vmem>>)
      tpu.yield
    }) : () -> ()
    %add3A_9 = arith.constant 0 : i32
    %add3A_10 = arith.addi %mul3A_2, %add3A_9 : i32
    %dma_start3A = arith.constant 0 : i32
    %dma_start3A_11 = tpu.memref_slice %arg2[%add3A_10, %dma_start3A] : memref<320000x16xf32, #tpu.memory_space<hbm>> -> memref<2000x16xf32, #tpu.memory_space<hbm>>
    %dma_start3A_12 = arith.constant 0 : i32
    %dma_start3A_13 = tpu.memref_slice %arg2[%add3A_10, %dma_start3A_12] : memref<320000x16xf32, #tpu.memory_space<hbm>> -> memref<2000x16xf32, #tpu.memory_space<hbm>>
    tpu.enqueue_dma source(%dma_start3A_13 : memref<2000x16xf32, #tpu.memory_space<hbm>>) target(%arg7 : memref<2000x16xf32, #tpu.memory_space<vmem>>) target_semaphore(%arg10 : memref<!tpu.dma_semaphore, #tpu.memory_space<semaphore_mem>>)
    %add3A_14 = arith.constant 2000 : i32
    %add3A_15 = arith.addi %mul3A_2, %add3A_14 : i32
    %dma_start3A_16 = arith.constant 0 : i32
    %dma_start3A_17 = tpu.memref_slice %arg2[%add3A_15, %dma_start3A_16] : memref<320000x16xf32, #tpu.memory_space<hbm>> -> memref<2000x16xf32, #tpu.memory_space<hbm>>
    %dma_start3A_18 = arith.constant 0 : i32
    %dma_start3A_19 = tpu.memref_slice %arg2[%add3A_15, %dma_start3A_18] : memref<320000x16xf32, #tpu.memory_space<hbm>> -> memref<2000x16xf32, #tpu.memory_space<hbm>>
    tpu.enqueue_dma source(%dma_start3A_19 : memref<2000x16xf32, #tpu.memory_space<hbm>>) target(%arg8 : memref<2000x16xf32, #tpu.memory_space<vmem>>) target_semaphore(%arg11 : memref<!tpu.dma_semaphore, #tpu.memory_space<semaphore_mem>>)
    %dma_wait3A = arith.constant 0 : i32
    %dma_wait3A_20 = tpu.memref_slice %arg2[%add3A_10, %dma_wait3A] : memref<320000x16xf32, #tpu.memory_space<hbm>> -> memref<2000x16xf32, #tpu.memory_space<hbm>>
    %dma_wait3A_21 = arith.constant 0 : i32
    %dma_wait3A_22 = tpu.memref_slice %arg2[%add3A_10, %dma_wait3A_21] : memref<320000x16xf32, #tpu.memory_space<hbm>> -> memref<2000x16xf32, #tpu.memory_space<hbm>>
    tpu.wait_dma2 semaphore(%arg10 : memref<!tpu.dma_semaphore, #tpu.memory_space<semaphore_mem>>) src(%dma_wait3A_22 : memref<2000x16xf32, #tpu.memory_space<hbm>>) dst(%arg7 : memref<2000x16xf32, #tpu.memory_space<vmem>>)
    "tpu.region"() ({
      %run_scoped3A = tpu.sem_alloc : memref<!tpu.dma_semaphore, #tpu.memory_space<semaphore_mem>>
      %dma_start3A_60 = arith.constant 0 : i32
      %dma_start3A_61 = tpu.memref_slice %arg6[%dma_start3A_60] : memref<10000xi32, #tpu.memory_space<vmem>> -> memref<2000xi32, #tpu.memory_space<vmem>>
      %dma_start3A_62 = arith.constant 0 : i32
      %dma_start3A_63 = arith.constant 0 : i32
      %dma_start3A_64 = tpu.memref_slice %arg5[%dma_start3A_62, %dma_start3A_63] : memref<10240x16xf32, #tpu.memory_space<vmem_shared>> -> memref<10240x16xf32, #tpu.memory_space<vmem_shared>>
      tpu.enqueue_indirect_dma source(%arg7 : memref<2000x16xf32, #tpu.memory_space<vmem>>) target(%dma_start3A_64 : memref<10240x16xf32, #tpu.memory_space<vmem_shared>>) offsets(%dma_start3A_61 : memref<2000xi32, #tpu.memory_space<vmem>>) semaphore(%run_scoped3A : memref<!tpu.dma_semaphore, #tpu.memory_space<semaphore_mem>>) {add = true}
      %dma_wait3A_65 = arith.constant 0 : i32
      %dma_wait3A_66 = tpu.memref_slice %arg6[%dma_wait3A_65] : memref<10000xi32, #tpu.memory_space<vmem>> -> memref<2000xi32, #tpu.memory_space<vmem>>
      %dma_wait3A_67 = arith.constant 0 : i32
      %dma_wait3A_68 = arith.constant 0 : i32
      %dma_wait3A_69 = tpu.memref_slice %arg5[%dma_wait3A_67, %dma_wait3A_68] : memref<10240x16xf32, #tpu.memory_space<vmem_shared>> -> memref<10240x16xf32, #tpu.memory_space<vmem_shared>>
      tpu.wait_indirect_dma semaphore(%run_scoped3A : memref<!tpu.dma_semaphore, #tpu.memory_space<semaphore_mem>>) src(%arg7 : memref<2000x16xf32, #tpu.memory_space<vmem>>) dst(%dma_wait3A_69 : memref<10240x16xf32, #tpu.memory_space<vmem_shared>>)
      tpu.yield
    }) : () -> ()
    %add3A_23 = arith.constant 4000 : i32
    %add3A_24 = arith.addi %mul3A_2, %add3A_23 : i32
    %dma_start3A_25 = arith.constant 0 : i32
    %dma_start3A_26 = tpu.memref_slice %arg2[%add3A_24, %dma_start3A_25] : memref<320000x16xf32, #tpu.memory_space<hbm>> -> memref<2000x16xf32, #tpu.memory_space<hbm>>
    %dma_start3A_27 = arith.constant 0 : i32
    %dma_start3A_28 = tpu.memref_slice %arg2[%add3A_24, %dma_start3A_27] : memref<320000x16xf32, #tpu.memory_space<hbm>> -> memref<2000x16xf32, #tpu.memory_space<hbm>>
    tpu.enqueue_dma source(%dma_start3A_28 : memref<2000x16xf32, #tpu.memory_space<hbm>>) target(%arg7 : memref<2000x16xf32, #tpu.memory_space<vmem>>) target_semaphore(%arg10 : memref<!tpu.dma_semaphore, #tpu.memory_space<semaphore_mem>>)
    %dma_wait3A_29 = arith.constant 0 : i32
    %dma_wait3A_30 = tpu.memref_slice %arg2[%add3A_15, %dma_wait3A_29] : memref<320000x16xf32, #tpu.memory_space<hbm>> -> memref<2000x16xf32, #tpu.memory_space<hbm>>
    %dma_wait3A_31 = arith.constant 0 : i32
    %dma_wait3A_32 = tpu.memref_slice %arg2[%add3A_15, %dma_wait3A_31] : memref<320000x16xf32, #tpu.memory_space<hbm>> -> memref<2000x16xf32, #tpu.memory_space<hbm>>
    tpu.wait_dma2 semaphore(%arg11 : memref<!tpu.dma_semaphore, #tpu.memory_space<semaphore_mem>>) src(%dma_wait3A_32 : memref<2000x16xf32, #tpu.memory_space<hbm>>) dst(%arg8 : memref<2000x16xf32, #tpu.memory_space<vmem>>)
    "tpu.region"() ({
      %run_scoped3A = tpu.sem_alloc : memref<!tpu.dma_semaphore, #tpu.memory_space<semaphore_mem>>
      %dma_start3A_60 = arith.constant 2000 : i32
      %dma_start3A_61 = tpu.memref_slice %arg6[%dma_start3A_60] : memref<10000xi32, #tpu.memory_space<vmem>> -> memref<2000xi32, #tpu.memory_space<vmem>>
      %dma_start3A_62 = arith.constant 0 : i32
      %dma_start3A_63 = arith.constant 0 : i32
      %dma_start3A_64 = tpu.memref_slice %arg5[%dma_start3A_62, %dma_start3A_63] : memref<10240x16xf32, #tpu.memory_space<vmem_shared>> -> memref<10240x16xf32, #tpu.memory_space<vmem_shared>>
      tpu.enqueue_indirect_dma source(%arg8 : memref<2000x16xf32, #tpu.memory_space<vmem>>) target(%dma_start3A_64 : memref<10240x16xf32, #tpu.memory_space<vmem_shared>>) offsets(%dma_start3A_61 : memref<2000xi32, #tpu.memory_space<vmem>>) semaphore(%run_scoped3A : memref<!tpu.dma_semaphore, #tpu.memory_space<semaphore_mem>>) {add = true}
      %dma_wait3A_65 = arith.constant 2000 : i32
      %dma_wait3A_66 = tpu.memref_slice %arg6[%dma_wait3A_65] : memref<10000xi32, #tpu.memory_space<vmem>> -> memref<2000xi32, #tpu.memory_space<vmem>>
      %dma_wait3A_67 = arith.constant 0 : i32
      %dma_wait3A_68 = arith.constant 0 : i32
      %dma_wait3A_69 = tpu.memref_slice %arg5[%dma_wait3A_67, %dma_wait3A_68] : memref<10240x16xf32, #tpu.memory_space<vmem_shared>> -> memref<10240x16xf32, #tpu.memory_space<vmem_shared>>
      tpu.wait_indirect_dma semaphore(%run_scoped3A : memref<!tpu.dma_semaphore, #tpu.memory_space<semaphore_mem>>) src(%arg8 : memref<2000x16xf32, #tpu.memory_space<vmem>>) dst(%dma_wait3A_69 : memref<10240x16xf32, #tpu.memory_space<vmem_shared>>)
      tpu.yield
    }) : () -> ()
    %add3A_33 = arith.constant 6000 : i32
    %add3A_34 = arith.addi %mul3A_2, %add3A_33 : i32
    %dma_start3A_35 = arith.constant 0 : i32
    %dma_start3A_36 = tpu.memref_slice %arg2[%add3A_34, %dma_start3A_35] : memref<320000x16xf32, #tpu.memory_space<hbm>> -> memref<2000x16xf32, #tpu.memory_space<hbm>>
    %dma_start3A_37 = arith.constant 0 : i32
    %dma_start3A_38 = tpu.memref_slice %arg2[%add3A_34, %dma_start3A_37] : memref<320000x16xf32, #tpu.memory_space<hbm>> -> memref<2000x16xf32, #tpu.memory_space<hbm>>
    tpu.enqueue_dma source(%dma_start3A_38 : memref<2000x16xf32, #tpu.memory_space<hbm>>) target(%arg8 : memref<2000x16xf32, #tpu.memory_space<vmem>>) target_semaphore(%arg11 : memref<!tpu.dma_semaphore, #tpu.memory_space<semaphore_mem>>)
    %dma_wait3A_39 = arith.constant 0 : i32
    %dma_wait3A_40 = tpu.memref_slice %arg2[%add3A_24, %dma_wait3A_39] : memref<320000x16xf32, #tpu.memory_space<hbm>> -> memref<2000x16xf32, #tpu.memory_space<hbm>>
    %dma_wait3A_41 = arith.constant 0 : i32
    %dma_wait3A_42 = tpu.memref_slice %arg2[%add3A_24, %dma_wait3A_41] : memref<320000x16xf32, #tpu.memory_space<hbm>> -> memref<2000x16xf32, #tpu.memory_space<hbm>>
    tpu.wait_dma2 semaphore(%arg10 : memref<!tpu.dma_semaphore, #tpu.memory_space<semaphore_mem>>) src(%dma_wait3A_42 : memref<2000x16xf32, #tpu.memory_space<hbm>>) dst(%arg7 : memref<2000x16xf32, #tpu.memory_space<vmem>>)
    "tpu.region"() ({
      %run_scoped3A = tpu.sem_alloc : memref<!tpu.dma_semaphore, #tpu.memory_space<semaphore_mem>>
      %dma_start3A_60 = arith.constant 4000 : i32
      %dma_start3A_61 = tpu.memref_slice %arg6[%dma_start3A_60] : memref<10000xi32, #tpu.memory_space<vmem>> -> memref<2000xi32, #tpu.memory_space<vmem>>
      %dma_start3A_62 = arith.constant 0 : i32
      %dma_start3A_63 = arith.constant 0 : i32
      %dma_start3A_64 = tpu.memref_slice %arg5[%dma_start3A_62, %dma_start3A_63] : memref<10240x16xf32, #tpu.memory_space<vmem_shared>> -> memref<10240x16xf32, #tpu.memory_space<vmem_shared>>
      tpu.enqueue_indirect_dma source(%arg7 : memref<2000x16xf32, #tpu.memory_space<vmem>>) target(%dma_start3A_64 : memref<10240x16xf32, #tpu.memory_space<vmem_shared>>) offsets(%dma_start3A_61 : memref<2000xi32, #tpu.memory_space<vmem>>) semaphore(%run_scoped3A : memref<!tpu.dma_semaphore, #tpu.memory_space<semaphore_mem>>) {add = true}
      %dma_wait3A_65 = arith.constant 4000 : i32
      %dma_wait3A_66 = tpu.memref_slice %arg6[%dma_wait3A_65] : memref<10000xi32, #tpu.memory_space<vmem>> -> memref<2000xi32, #tpu.memory_space<vmem>>
      %dma_wait3A_67 = arith.constant 0 : i32
      %dma_wait3A_68 = arith.constant 0 : i32
      %dma_wait3A_69 = tpu.memref_slice %arg5[%dma_wait3A_67, %dma_wait3A_68] : memref<10240x16xf32, #tpu.memory_space<vmem_shared>> -> memref<10240x16xf32, #tpu.memory_space<vmem_shared>>
      tpu.wait_indirect_dma semaphore(%run_scoped3A : memref<!tpu.dma_semaphore, #tpu.memory_space<semaphore_mem>>) src(%arg7 : memref<2000x16xf32, #tpu.memory_space<vmem>>) dst(%dma_wait3A_69 : memref<10240x16xf32, #tpu.memory_space<vmem_shared>>)
      tpu.yield
    }) : () -> ()
    %add3A_43 = arith.constant 8000 : i32
    %add3A_44 = arith.addi %mul3A_2, %add3A_43 : i32
    %dma_start3A_45 = arith.constant 0 : i32
    %dma_start3A_46 = tpu.memref_slice %arg2[%add3A_44, %dma_start3A_45] : memref<320000x16xf32, #tpu.memory_space<hbm>> -> memref<2000x16xf32, #tpu.memory_space<hbm>>
    %dma_start3A_47 = arith.constant 0 : i32
    %dma_start3A_48 = tpu.memref_slice %arg2[%add3A_44, %dma_start3A_47] : memref<320000x16xf32, #tpu.memory_space<hbm>> -> memref<2000x16xf32, #tpu.memory_space<hbm>>
    tpu.enqueue_dma source(%dma_start3A_48 : memref<2000x16xf32, #tpu.memory_space<hbm>>) target(%arg7 : memref<2000x16xf32, #tpu.memory_space<vmem>>) target_semaphore(%arg10 : memref<!tpu.dma_semaphore, #tpu.memory_space<semaphore_mem>>)
    %dma_wait3A_49 = arith.constant 0 : i32
    %dma_wait3A_50 = tpu.memref_slice %arg2[%add3A_34, %dma_wait3A_49] : memref<320000x16xf32, #tpu.memory_space<hbm>> -> memref<2000x16xf32, #tpu.memory_space<hbm>>
    %dma_wait3A_51 = arith.constant 0 : i32
    %dma_wait3A_52 = tpu.memref_slice %arg2[%add3A_34, %dma_wait3A_51] : memref<320000x16xf32, #tpu.memory_space<hbm>> -> memref<2000x16xf32, #tpu.memory_space<hbm>>
    tpu.wait_dma2 semaphore(%arg11 : memref<!tpu.dma_semaphore, #tpu.memory_space<semaphore_mem>>) src(%dma_wait3A_52 : memref<2000x16xf32, #tpu.memory_space<hbm>>) dst(%arg8 : memref<2000x16xf32, #tpu.memory_space<vmem>>)
    "tpu.region"() ({
      %run_scoped3A = tpu.sem_alloc : memref<!tpu.dma_semaphore, #tpu.memory_space<semaphore_mem>>
      %dma_start3A_60 = arith.constant 6000 : i32
      %dma_start3A_61 = tpu.memref_slice %arg6[%dma_start3A_60] : memref<10000xi32, #tpu.memory_space<vmem>> -> memref<2000xi32, #tpu.memory_space<vmem>>
      %dma_start3A_62 = arith.constant 0 : i32
      %dma_start3A_63 = arith.constant 0 : i32
      %dma_start3A_64 = tpu.memref_slice %arg5[%dma_start3A_62, %dma_start3A_63] : memref<10240x16xf32, #tpu.memory_space<vmem_shared>> -> memref<10240x16xf32, #tpu.memory_space<vmem_shared>>
      tpu.enqueue_indirect_dma source(%arg8 : memref<2000x16xf32, #tpu.memory_space<vmem>>) target(%dma_start3A_64 : memref<10240x16xf32, #tpu.memory_space<vmem_shared>>) offsets(%dma_start3A_61 : memref<2000xi32, #tpu.memory_space<vmem>>) semaphore(%run_scoped3A : memref<!tpu.dma_semaphore, #tpu.memory_space<semaphore_mem>>) {add = true}
      %dma_wait3A_65 = arith.constant 6000 : i32
      %dma_wait3A_66 = tpu.memref_slice %arg6[%dma_wait3A_65] : memref<10000xi32, #tpu.memory_space<vmem>> -> memref<2000xi32, #tpu.memory_space<vmem>>
      %dma_wait3A_67 = arith.constant 0 : i32
      %dma_wait3A_68 = arith.constant 0 : i32
      %dma_wait3A_69 = tpu.memref_slice %arg5[%dma_wait3A_67, %dma_wait3A_68] : memref<10240x16xf32, #tpu.memory_space<vmem_shared>> -> memref<10240x16xf32, #tpu.memory_space<vmem_shared>>
      tpu.wait_indirect_dma semaphore(%run_scoped3A : memref<!tpu.dma_semaphore, #tpu.memory_space<semaphore_mem>>) src(%arg8 : memref<2000x16xf32, #tpu.memory_space<vmem>>) dst(%dma_wait3A_69 : memref<10240x16xf32, #tpu.memory_space<vmem_shared>>)
      tpu.yield
    }) : () -> ()
    %dma_wait3A_53 = arith.constant 0 : i32
    %dma_wait3A_54 = tpu.memref_slice %arg2[%add3A_44, %dma_wait3A_53] : memref<320000x16xf32, #tpu.memory_space<hbm>> -> memref<2000x16xf32, #tpu.memory_space<hbm>>
    %dma_wait3A_55 = arith.constant 0 : i32
    %dma_wait3A_56 = tpu.memref_slice %arg2[%add3A_44, %dma_wait3A_55] : memref<320000x16xf32, #tpu.memory_space<hbm>> -> memref<2000x16xf32, #tpu.memory_space<hbm>>
    tpu.wait_dma2 semaphore(%arg10 : memref<!tpu.dma_semaphore, #tpu.memory_space<semaphore_mem>>) src(%dma_wait3A_56 : memref<2000x16xf32, #tpu.memory_space<hbm>>) dst(%arg7 : memref<2000x16xf32, #tpu.memory_space<vmem>>)
    "tpu.region"() ({
      %run_scoped3A = tpu.sem_alloc : memref<!tpu.dma_semaphore, #tpu.memory_space<semaphore_mem>>
      %dma_start3A_60 = arith.constant 8000 : i32
      %dma_start3A_61 = tpu.memref_slice %arg6[%dma_start3A_60] : memref<10000xi32, #tpu.memory_space<vmem>> -> memref<2000xi32, #tpu.memory_space<vmem>>
      %dma_start3A_62 = arith.constant 0 : i32
      %dma_start3A_63 = arith.constant 0 : i32
      %dma_start3A_64 = tpu.memref_slice %arg5[%dma_start3A_62, %dma_start3A_63] : memref<10240x16xf32, #tpu.memory_space<vmem_shared>> -> memref<10240x16xf32, #tpu.memory_space<vmem_shared>>
      tpu.enqueue_indirect_dma source(%arg7 : memref<2000x16xf32, #tpu.memory_space<vmem>>) target(%dma_start3A_64 : memref<10240x16xf32, #tpu.memory_space<vmem_shared>>) offsets(%dma_start3A_61 : memref<2000xi32, #tpu.memory_space<vmem>>) semaphore(%run_scoped3A : memref<!tpu.dma_semaphore, #tpu.memory_space<semaphore_mem>>) {add = true}
      %dma_wait3A_65 = arith.constant 8000 : i32
      %dma_wait3A_66 = tpu.memref_slice %arg6[%dma_wait3A_65] : memref<10000xi32, #tpu.memory_space<vmem>> -> memref<2000xi32, #tpu.memory_space<vmem>>
      %dma_wait3A_67 = arith.constant 0 : i32
      %dma_wait3A_68 = arith.constant 0 : i32
      %dma_wait3A_69 = tpu.memref_slice %arg5[%dma_wait3A_67, %dma_wait3A_68] : memref<10240x16xf32, #tpu.memory_space<vmem_shared>> -> memref<10240x16xf32, #tpu.memory_space<vmem_shared>>
      tpu.wait_indirect_dma semaphore(%run_scoped3A : memref<!tpu.dma_semaphore, #tpu.memory_space<semaphore_mem>>) src(%arg7 : memref<2000x16xf32, #tpu.memory_space<vmem>>) dst(%dma_wait3A_69 : memref<10240x16xf32, #tpu.memory_space<vmem_shared>>)
      tpu.yield
    }) : () -> ()
    %barrier3A_57 = arith.constant 0 : index
    tpu.barrier barrier_id(%barrier3A_57)
    %mul3A_58 = arith.constant 640 : i32
    %mul3A_59 = arith.muli %arg1, %mul3A_58 : i32
    "tpu.region"() ({
      %run_scoped3A = tpu.sem_alloc : memref<!tpu.dma_semaphore, #tpu.memory_space<semaphore_mem>>
      %dma_start3A_60 = arith.constant 0 : i32
      %dma_start3A_61 = tpu.memref_slice %arg5[%mul3A_59, %dma_start3A_60] : memref<10240x16xf32, #tpu.memory_space<vmem_shared>> -> memref<640x16xf32, #tpu.memory_space<vmem_shared>>
      %dma_start3A_62 = arith.constant 0 : i32
      %dma_start3A_63 = tpu.memref_slice %arg5[%mul3A_59, %dma_start3A_62] : memref<10240x16xf32, #tpu.memory_space<vmem_shared>> -> memref<640x16xf32, #tpu.memory_space<vmem_shared>>
      tpu.enqueue_dma source(%dma_start3A_63 : memref<640x16xf32, #tpu.memory_space<vmem_shared>>) target(%arg9 : memref<640x16xf32, #tpu.memory_space<vmem>>) target_semaphore(%run_scoped3A : memref<!tpu.dma_semaphore, #tpu.memory_space<semaphore_mem>>)
      %dma_wait3A_64 = arith.constant 0 : i32
      %dma_wait3A_65 = tpu.memref_slice %arg5[%mul3A_59, %dma_wait3A_64] : memref<10240x16xf32, #tpu.memory_space<vmem_shared>> -> memref<640x16xf32, #tpu.memory_space<vmem_shared>>
      %dma_wait3A_66 = arith.constant 0 : i32
      %dma_wait3A_67 = tpu.memref_slice %arg5[%mul3A_59, %dma_wait3A_66] : memref<10240x16xf32, #tpu.memory_space<vmem_shared>> -> memref<640x16xf32, #tpu.memory_space<vmem_shared>>
      tpu.wait_dma2 semaphore(%run_scoped3A : memref<!tpu.dma_semaphore, #tpu.memory_space<semaphore_mem>>) src(%dma_wait3A_67 : memref<640x16xf32, #tpu.memory_space<vmem_shared>>) dst(%arg9 : memref<640x16xf32, #tpu.memory_space<vmem>>)
      tpu.yield
    }) : () -> ()
    "tpu.region"() ({
      %run_scoped3A = tpu.sem_alloc : memref<!tpu.dma_semaphore, #tpu.memory_space<semaphore_mem>>
      %dma_start3A_60 = arith.constant 0 : i32
      %dma_start3A_61 = tpu.memref_slice %arg4[%arg0, %mul3A_59, %dma_start3A_60] : memref<2x10240x16xf32, #tpu.memory_space<hbm>> -> memref<1x640x16xf32, #tpu.memory_space<hbm>>
      %dma_start3A_62 = tpu.memref_squeeze %dma_start3A_61 : memref<1x640x16xf32, #tpu.memory_space<hbm>> -> memref<640x16xf32, #tpu.memory_space<hbm>>
      %dma_start3A_63 = arith.constant 0 : i32
      %dma_start3A_64 = tpu.memref_slice %arg4[%arg0, %mul3A_59, %dma_start3A_63] : memref<2x10240x16xf32, #tpu.memory_space<hbm>> -> memref<1x640x16xf32, #tpu.memory_space<hbm>>
      %dma_start3A_65 = tpu.memref_squeeze %dma_start3A_64 : memref<1x640x16xf32, #tpu.memory_space<hbm>> -> memref<640x16xf32, #tpu.memory_space<hbm>>
      tpu.enqueue_dma source(%arg9 : memref<640x16xf32, #tpu.memory_space<vmem>>) target(%dma_start3A_65 : memref<640x16xf32, #tpu.memory_space<hbm>>) target_semaphore(%run_scoped3A : memref<!tpu.dma_semaphore, #tpu.memory_space<semaphore_mem>>)
      %dma_wait3A_66 = arith.constant 0 : i32
      %dma_wait3A_67 = tpu.memref_slice %arg4[%arg0, %mul3A_59, %dma_wait3A_66] : memref<2x10240x16xf32, #tpu.memory_space<hbm>> -> memref<1x640x16xf32, #tpu.memory_space<hbm>>
      %dma_wait3A_68 = tpu.memref_squeeze %dma_wait3A_67 : memref<1x640x16xf32, #tpu.memory_space<hbm>> -> memref<640x16xf32, #tpu.memory_space<hbm>>
      %dma_wait3A_69 = arith.constant 0 : i32
      %dma_wait3A_70 = tpu.memref_slice %arg4[%arg0, %mul3A_59, %dma_wait3A_69] : memref<2x10240x16xf32, #tpu.memory_space<hbm>> -> memref<1x640x16xf32, #tpu.memory_space<hbm>>
      %dma_wait3A_71 = tpu.memref_squeeze %dma_wait3A_70 : memref<1x640x16xf32, #tpu.memory_space<hbm>> -> memref<640x16xf32, #tpu.memory_space<hbm>>
      tpu.wait_dma2 semaphore(%run_scoped3A : memref<!tpu.dma_semaphore, #tpu.memory_space<semaphore_mem>>) src(%arg9 : memref<640x16xf32, #tpu.memory_space<vmem>>) dst(%dma_wait3A_71 : memref<640x16xf32, #tpu.memory_space<hbm>>)
      tpu.yield
    }) : () -> ()
    return
  }
}

module attributes {stable_mosaic.version = 14 : i64} {
  func.func @_dense_body(%arg0: i32, %arg1: memref<1000x128xf32, #tpu.memory_space<vmem>>, %arg2: memref<1000x16xf32, #tpu.memory_space<vmem>>, %arg3: memref<1000x16xf32, #tpu.memory_space<vmem>>, %arg4: memref<128x128xf32, #tpu.memory_space<vmem>>, %arg5: memref<16x128xf32, #tpu.memory_space<vmem>>, %arg6: memref<1x128xf32, #tpu.memory_space<vmem>>, %arg7: memref<1000x128xf32, #tpu.memory_space<vmem>>) attributes {dimension_semantics = [#tpu.dimension_semantics<arbitrary>], iteration_bounds = array<i64: 10>, scalar_prefetch = 0 : i64, scratch_operands = 0 : i64, tpu.core_type = #tpu.core_type<tc>, window_params = [{transform_indices = @transform_0, window_bounds = array<i64: 1000, 128>}, {transform_indices = @transform_1, window_bounds = array<i64: 1000, 16>}, {transform_indices = @transform_2, window_bounds = array<i64: 1000, 16>}, {pipeline_mode = #tpu.pipeline_mode<synchronous>, transform_indices = @transform_3, window_bounds = array<i64: 128, 128>}, {pipeline_mode = #tpu.pipeline_mode<synchronous>, transform_indices = @transform_4, window_bounds = array<i64: 16, 128>}, {pipeline_mode = #tpu.pipeline_mode<synchronous>, transform_indices = @transform_5, window_bounds = array<i64: 1, 128>}, {transform_indices = @transform_6, window_bounds = array<i64: 1000, 128>}]} {
    %get3A = arith.constant 0 : index
    %get3A_0 = arith.constant 0 : index
    %get3A_1 = vector.load %arg2[%get3A, %get3A_0] : memref<1000x16xf32, #tpu.memory_space<vmem>>, vector<1000x16xf32>
    %get3A_2 = arith.constant 0 : index
    %get3A_3 = arith.constant 0 : index
    %get3A_4 = vector.load %arg3[%get3A_2, %get3A_3] : memref<1000x16xf32, #tpu.memory_space<vmem>>, vector<1000x16xf32>
    %add3A = arith.addf %get3A_1, %get3A_4 : vector<1000x16xf32>
    %get3A_5 = arith.constant 0 : index
    %get3A_6 = arith.constant 0 : index
    %get3A_7 = vector.load %arg1[%get3A_5, %get3A_6] : memref<1000x128xf32, #tpu.memory_space<vmem>>, vector<1000x128xf32>
    %get3A_8 = arith.constant 0 : index
    %get3A_9 = arith.constant 0 : index
    %get3A_10 = vector.load %arg4[%get3A_8, %get3A_9] : memref<128x128xf32, #tpu.memory_space<vmem>>, vector<128x128xf32>
    %dot_general3A = arith.constant dense<0.000000e+00> : vector<1000x128xf32>
    %dot_general3A_11 = tpu.matmul %get3A_7, %get3A_10, %dot_general3A {dimension_numbers = #tpu.dot_dimension_numbers<[1], [0], [0], [1], [0, 0, 1, 1], [], []>, transpose_lhs_hint = false} : vector<1000x128xf32>, vector<128x128xf32>, vector<1000x128xf32> -> vector<1000x128xf32>
    %get3A_12 = arith.constant 0 : index
    %get3A_13 = arith.constant 0 : index
    %get3A_14 = vector.load %arg5[%get3A_12, %get3A_13] : memref<16x128xf32, #tpu.memory_space<vmem>>, vector<16x128xf32>
    %dot_general3A_15 = arith.constant dense<0.000000e+00> : vector<1000x128xf32>
    %dot_general3A_16 = tpu.matmul %add3A, %get3A_14, %dot_general3A_15 {dimension_numbers = #tpu.dot_dimension_numbers<[1], [0], [0], [1], [0, 0, 1, 1], [], []>, transpose_lhs_hint = false} : vector<1000x16xf32>, vector<16x128xf32>, vector<1000x128xf32> -> vector<1000x128xf32>
    %add3A_17 = arith.addf %dot_general3A_11, %dot_general3A_16 : vector<1000x128xf32>
    %get3A_18 = arith.constant 0 : index
    %get3A_19 = arith.constant 0 : index
    %get3A_20 = vector.load %arg6[%get3A_18, %get3A_19] : memref<1x128xf32, #tpu.memory_space<vmem>>, vector<1x128xf32>
    %add3A_21 = vector.broadcast %get3A_20 : vector<1x128xf32> to vector<1000x128xf32>
    %add3A_22 = arith.addf %add3A_17, %add3A_21 : vector<1000x128xf32>
    %swap3A = arith.constant 0 : index
    %swap3A_23 = arith.constant 0 : index
    %swap3A_24 = vector.load %arg7[%swap3A, %swap3A_23] : memref<1000x128xf32, #tpu.memory_space<vmem>>, vector<1000x128xf32>
    tpu.vector_store %arg7[%swap3A, %swap3A_23], %add3A_22 {strides = array<i32>} : memref<1000x128xf32, #tpu.memory_space<vmem>>, vector<1000x128xf32>,
    return
  }
  func.func @transform_0(%arg0: i32) -> (i32, i32) {
    %c0_i32 = arith.constant 0 : i32
    %c0_i32_0 = arith.constant 0 : i32
    return %arg0, %c0_i32 : i32, i32
  }
  func.func @transform_1(%arg0: i32) -> (i32, i32) {
    %c0_i32 = arith.constant 0 : i32
    %c0_i32_0 = arith.constant 0 : i32
    return %arg0, %c0_i32 : i32, i32
  }
  func.func @transform_2(%arg0: i32) -> (i32, i32) {
    %c0_i32 = arith.constant 0 : i32
    %c0_i32_0 = arith.constant 0 : i32
    return %arg0, %c0_i32 : i32, i32
  }
  func.func @transform_3(%arg0: i32) -> (i32, i32) {
    %c0_i32 = arith.constant 0 : i32
    %c0_i32_0 = arith.constant 0 : i32
    %c0_i32_1 = arith.constant 0 : i32
    return %c0_i32, %c0_i32_0 : i32, i32
  }
  func.func @transform_4(%arg0: i32) -> (i32, i32) {
    %c0_i32 = arith.constant 0 : i32
    %c0_i32_0 = arith.constant 0 : i32
    %c0_i32_1 = arith.constant 0 : i32
    return %c0_i32, %c0_i32_0 : i32, i32
  }
  func.func @transform_5(%arg0: i32) -> (i32, i32) {
    %c0_i32 = arith.constant 0 : i32
    %c0_i32_0 = arith.constant 0 : i32
    %c0_i32_1 = arith.constant 0 : i32
    return %c0_i32, %c0_i32_0 : i32, i32
  }
  func.func @transform_6(%arg0: i32) -> (i32, i32) {
    %c0_i32 = arith.constant 0 : i32
    %c0_i32_0 = arith.constant 0 : i32
    return %arg0, %c0_i32 : i32, i32
  }
}

</mosaic_0001>

<sc_bundles>
// kernel: kernel.4.cloned.1.call-start
scs
__scs_entry_jumppad:
0x0: {  	(pc) =	sbr.rel $0x88, $3  }
0x1: {  	(tag) =	ssettag $0x0;
	lr =	simm.s32 $0x1  }
0x2: {  	[smem:$0x3F9B] =	sst lr;
	_ =	strace $0xD0000000  }
0x3: {  	_ = 	snop  }
0x4: {  	_ = 	snop  }
0x5: {  	_ = 	snop  }
0x6: {  	_ = 	snop  }
0x7: {  	_ = 	snop  }
__scs_overlays_trampoline_lowered:
0x8: {  	[smem:$0x3FAA] =	sst s0  }
0x9: {  	[smem:$0x3FAB] =	sst s1  }
0xa: {  	[smem:$0x3FAC] =	sst s2  }
0xb: {  	[smem:$0x3FAD] =	sst s3  }
0xc: {  	[smem:$0x3FAE] =	sst s4  }
0xd: {  	[smem:$0x3FAF] =	sst s5  }
0xe: {  	[smem:$0x3FB0] =	sst s6  }
0xf: {  	[smem:$0x3FB1] =	sst s7  }
0x10: {  	[smem:$0x3FB2] =	sst s8  }
0x11: {  	[smem:$0x3FB3] =	sst s9;
	s0 =	simm.s32 @!p0 $0x0  }
0x12: {  	s1 =	sld [smem:$0x3F99];
	s0 =	simm.s32 @p0 $0x1  }
0x13: {  	[smem:$0x3FB4] =	sst s0;
	s0 =	simm.s32 @!p1 $0x0  }
0x14: {  	s2 =	sld [smem:$0x3F98];
	s0 =	simm.s32 @p1 $0x1  }
0x15: {  	[smem:$0x3FB5] =	sst s0;
	s0 =	simm.s32 @!p2 $0x0  }
0x16: {  	s3 =	sld [smem:$0x3FDB];
	s0 =	simm.s32 @p2 $0x1  }
0x17: {  	s4 =	simm.s32 $0x1BF5;
	[smem:$0x3FB7] =	sst s0  }
0x18: {  	s0 =	sld [smem:$0x3F9A];
	_ =	swait.ge [sflag:s4], $0x0  }
0x19: {  	s7 =	sld [smem:$0x3F9B]  }
0x1a: {  	s8 =	sadd.s32 $0xFFFFE003, lr  }
0x1b: {  	s9 =	sadd.s32 $0xFFFFFEF7, lr;
	s5 =	simm.s32 $0xFFFFFFFF;
	p2 =	slt.u32 s8, $0xFFFFF086  }
0x1c: {  	p1 =	slt.u32 s9, $0xF7A;
	s5 =	simm.s32 @!p2 $0x0  }
0x1d: {  	s5 =	simm.s32 @p1 $0x1;
	p0 =	seq.s32 s7, s2  }
0x1e: {  	s7 =	smul.u32 @!p0 $0xF7A, s2;
	p2 =	seq.s32 @!p0 s5, $0x0  }
0x1f: {  	s9 =	smul.u32 $0xF7A, s1;
	s8 =	simm.s32 @!p0 $0x1BF5;
	p2 =	por !p2, p0  }
0x20: {  	[sflag:s8] =	ssyncset.s32 @!p0 $0xFFFFF086;
	s6 =	sadd.s32 @!p0 s3, s7;
	s7 =	simm.s32 @!p0 $0x108  }
0x21: {  	s3 =	sadd.s32 s3, s9;
	s6 =	sadd.s32 @!p0 $0x88, s6;
	s7 =	simm.s32 @p2 $0x1082  }
0x22: {  	[simem:s7], [sflag:s8] =	dma.local @!p0 [hbm:s6], $0xF7A  }
0x23: {  	s9 =	sor.u32 $0xD0000000, s2;
	s6 =	simm.s32 $0x108;
	_ =	swait.ge @!p0 [sflag:s8], $0x0  }
0x24: {  	s3 =	sadd.s32 $0x88, s3;
	s6 =	simm.s32 @!p1 $0x1082;
	[sflag:s4] =	ssyncset.s32 $0xFFFFF086  }
0x25: {  	[simem:s6], [sflag:s4] =	dma.local [hbm:s3], $0xF7A  }
0x26: {  	[smem:$0x3F9B] =	sst s1;
	(tag) =	ssettag s2;
	_ =	strace s9  }
0x27: {  	s1 =	sld [smem:$0x3FAB]  }
0x28: {  	s2 =	sld [smem:$0x3FAC]  }
0x29: {  	s4 =	sld [smem:$0x3FAE]  }
0x2a: {  	p0 =	seq.s32 s5, $0x0;
	s5 =	sld [smem:$0x3FAF]  }
0x2b: {  	s6 =	sld [smem:$0x3FB0]  }
0x2c: {  	s7 =	sld [smem:$0x3FB1]  }
0x2d: {  	s3 =	simm.s32 $0x108;
	s8 =	sld [smem:$0x3FB2]  }
0x2e: {  	s3 =	simm.s32 @!p0 $0x1082;
	s9 =	sld [smem:$0x3FB3]  }
0x2f: {  	lr =	sadd.s32 s0, s3;
	s0 =	sld [smem:$0x3FAA]  }
0x30: {  	s3 =	sld [smem:$0x3FAD]  }
0x31: {  	[smem:$0x3FB6] =	sst s10  }
0x32: {  	s10 =	sld [smem:$0x3FB4];
	_ =	sdelay $0x3  }
0x33: {  	p0 =	seq.s32 s10, $0x1;
	s10 =	sld [smem:$0x3FB6];
	_ =	sdelay $0x3  }
0x34: {  	[smem:$0x3FB6] =	sst s10  }
0x35: {  	s10 =	sld [smem:$0x3FB5];
	_ =	sdelay $0x3  }
0x36: {  	p1 =	seq.s32 s10, $0x1;
	s10 =	sld [smem:$0x3FB6];
	_ =	sdelay $0x3  }
0x37: {  	[smem:$0x3FB6] =	sst s10  }
0x38: {  	s10 =	sld [smem:$0x3FB7]  }
0x39: {  	_ = 	snop;
	(pc) =	sbr.ind lr, $3  }
0x3a: {  	_ = 	snop  }
0x3b: {  	_ = 	snop  }
0x3c: {  	p2 =	seq.s32 s10, $0x1;
	s10 =	sld [smem:$0x3FB6]  }
0x3d: {  	_ =	shalt  }
0x3e: {  	_ =	shalt  }
0x3f: {  	_ =	shalt  }
0x40: {  	_ =	shalt  }
0x41: {  	_ =	shalt  }
0x42: {  	_ =	shalt  }
0x43: {  	_ =	shalt  }
0x44: {  	_ =	shalt  }
0x45: {  	_ =	shalt  }
0x46: {  	_ =	shalt  }
0x47: {  	_ =	shalt  }
0x48: {  	_ =	shalt  }
0x49: {  	_ =	shalt  }
0x4a: {  	_ =	shalt  }
0x4b: {  	_ =	shalt  }
0x4c: {  	_ =	shalt  }
0x4d: {  	_ =	shalt  }
0x4e: {  	_ =	shalt  }
0x4f: {  	_ =	shalt  }
0x50: {  	_ =	shalt  }
0x51: {  	_ =	shalt  }
0x52: {  	_ =	shalt  }
0x53: {  	_ =	shalt  }
0x54: {  	_ =	shalt  }
0x55: {  	_ =	shalt  }
0x56: {  	_ =	shalt  }
0x57: {  	_ =	shalt  }
0x58: {  	_ =	shalt  }
0x59: {  	_ =	shalt  }
0x5a: {  	_ =	shalt  }
0x5b: {  	_ =	shalt  }
0x5c: {  	_ =	shalt  }
0x5d: {  	_ =	shalt  }
0x5e: {  	_ =	shalt  }
0x5f: {  	_ =	shalt  }
0x60: {  	_ =	shalt  }
0x61: {  	_ =	shalt  }
0x62: {  	_ =	shalt  }
0x63: {  	_ =	shalt  }
0x64: {  	_ =	shalt  }
0x65: {  	_ =	shalt  }
0x66: {  	_ =	shalt  }
0x67: {  	_ =	shalt  }
0x68: {  	_ =	shalt  }
0x69: {  	_ =	shalt  }
0x6a: {  	_ =	shalt  }
0x6b: {  	_ =	shalt  }
0x6c: {  	_ =	shalt  }
0x6d: {  	_ =	shalt  }
0x6e: {  	_ =	shalt  }
0x6f: {  	_ =	shalt  }
0x70: {  	_ =	shalt  }
0x71: {  	_ =	shalt  }
0x72: {  	_ =	shalt  }
0x73: {  	_ =	shalt  }
0x74: {  	_ =	shalt  }
0x75: {  	_ =	shalt  }
0x76: {  	_ =	shalt  }
0x77: {  	_ =	shalt  }
0x78: {  	_ =	shalt  }
0x79: {  	_ =	shalt  }
0x7a: {  	_ =	shalt  }
0x7b: {  	_ =	shalt  }
0x7c: {  	_ =	shalt  }
0x7d: {  	_ =	shalt  }
0x7e: {  	_ =	shalt  }
0x7f: {  	_ =	shalt  }
0x80: {  	_ =	shalt  }
0x81: {  	_ =	shalt  }
0x82: {  	_ =	shalt  }
0x83: {  	_ =	shalt  }
0x84: {  	_ =	shalt  }
0x85: {  	_ =	shalt  }
0x86: {  	_ =	shalt  }
0x87: {  	_ =	shalt  }
.Lfunc_end0:
.L_simem_size_0:
called_computation_lowered:
.L_overlay_start_0:
0x88: {  	s2 =	sld [smem:$0x3FD9]  }
0x89: {  	s3 =	sld [smem:$0x3FFE];
	_ =	sdelay $0x1  }
0x8a: {  	s1 =	srdreg.scid  }
0x8b: {  	s0 =	sand.u32 $0x1, s1  }
0x8c: {  	s15 =	sshll.u32 s0, $0xA;
	s2 =	sadd.s32 s3, s2  }
0x8d: {  	s2 =	sadd.s32 s2, s15  }
0x8e: {  	[smem:$0x3FC2] =	sst s2  }
0x8f: {  	_ = 	snop  }
0x90: {  	s2 =	sld [smem:$0x3FD0];
	_ =	sdelay $0x2  }
0x91: {  	s16 =	simm.s32 $0xA;
	s4 =	simm.s32 $0x10  }
0x92: {  	[smem:s4], [sflag:s16] =	dma.local [hbm:s2], $0x1  }
0x93: {  	_ =	swait.eq [sflag:s16], $0x1  }
0x94: {  	s17 =	sld [smem:$0x10];
	[sflag:s16] =	ssyncset.done $0x0  }
0x95: {  	s18 =	sld [smem:$0x11];
	[sflag:s16] =	ssyncadd.s32 $0xFFFFFFFF  }
0x96: {  	s19 =	sld [smem:$0x12];
	(tm) =	ssettm $0x1  }
0x97: {  	s5 =	sld [smem:$0x3FFB];
	_ =	sdelay $0x3  }
0x98: {  	_ =	strace s5  }
0x99: {  	s5 =	sld [smem:$0x3FFC];
	_ =	sdelay $0x3  }
0x9a: {  	_ =	strace s5  }
0x9b: {  	s5 =	sld [smem:$0x3FFD];
	_ =	sdelay $0x3  }
0x9c: {  	_ =	strace s5  }
0x9d: {  	_ =	strace $0x8FFFFFFF  }
0x9e: {  	s20 =	sld [smem:$0x3FDB];
	_ =	sdelay $0x1  }
0x9f: {  	s6 =	simm.s32 $_scs_section_size  }
0xa0: {  	s7 =	simm.s32 $_size__tile_overlayer_lowered;
	s8 =	simm.s32 $_tile_overlayer_lowered  }
0xa1: {  	s23 =	simm.s32 $0x1BFF;
	s22 =	sshll.u32 s8, $0x1;
	s5 =	sadd.s32 s6, s20  }
0xa2: {  	s9 =	simm.s32 $0x0;
	s21 =	sshll.u32 s7, $0x1;
	s7 =	sadd.s32 s22, s5  }
0xa3: {  	[timem:s9], [sflag:s23] =	dma.local [hbm:s7], s21  }
0xa4: {  	_ =	swait.ge [sflag:s23], s21  }
0xa5: {  	s6 =	ssub.s32 $0x0, s21;
	[sflag:s23] =	ssyncset.done $0x0  }
0xa6: {  	[sflag:s23] =	ssyncadd.s32 s6;
	_ =	sdelay $0x1  }
0xa7: {  	s24 =	simm.s32 $0x1B8B  }
0xa8: {  	_ =	swait.ge [sflag:s24], $0x1  }
0xa9: {  	[sflag:s24] =	ssyncset.done $0x0  }
0xaa: {  	s25 =	simm.s32 $0x1B8E;
	[sflag:s24] =	ssyncadd.s32 $0xFFFFFFFF  }
0xab: {  	s26 =	simm.s32 $execute0_lowered;
	[smem:$0x3FD2] =	sst s25  }
0xac: {  	s6 =	sshll.u32 s26, $0x1;
	_ =	strace $0x80000046;
	[dreg:$0x1] =	wrdreg $0xFFFFFFFF  }
0xad: {  	s28 =	simm.s32 $_size_execute0_lowered;
	s5 =	sadd.s32 s5, s6;
	[dreg:$0x0] =	wrdreg $0x0  }
0xae: {  	s6 =	sshll.u32 s28, $0x1;
	[dreg:$0x2] =	wrdreg s5  }
0xaf: {  	[dreg:$0x3] =	wrdreg s6  }
0xb0: {  	[dreg:$0x4] =	wrdreg $0xC0  }
0xb1: {  	_ =	task [dreg:s9], $0x5FFFF  }
0xb2: {  	[dreg:$0x1] =	wrdreg $0xFFFFFFFF  }
0xb3: {  	[dreg:$0x0] =	wrdreg $0x60  }
0xb4: {  	[dreg:$0x2] =	wrdreg s18  }
0xb5: {  	[dreg:$0x3] =	wrdreg s17  }
0xb6: {  	[dreg:$0x4] =	wrdreg s19  }
0xb7: {  	[dreg:$0x5] =	wrdreg $0x0  }
0xb8: {  	[dreg:$0x6] =	wrdreg $0x9  }
0xb9: {  	_ =	task.clear_ibuf [dreg:s9], $0x7FFFF;
	_ =	strace $0x90000046  }
0xba: {  	s29 =	simm.s32 $0x9;
	_ =	strace $0x80000048  }
0xbb: {  	_ =	swait.ge [sflag:s29], $0x1  }
0xbc: {  	[sflag:s29] =	ssyncadd.s32 $0xFFFFFFFF  }
0xbd: {  	_ =	strace $0x90000048  }
0xbe: {  	_ =	sfence  }
0xbf: {  	s30 =	sld [smem:$0x0];
	_ =	sdelay $0x2  }
0xc0: {  	s31 =	sshll.u32 s1, $0xD;
	s1 =	sshrl.u32 s1, $0x2  }
0xc1: {  	s3 =	sand.u32 $0x4000, s31;
	s1 =	sadd.s32 s1, s30  }
0xc2: {  	s0 =	sor.u32 s3, s0;
	s1 =	sshll.u32 s1, $0x11  }
0xc3: {  	s0 =	sor.u32 s1, s0  }
0xc4: {  	s0 =	sadd.s32 $0x8F2B, s0  }
0xc5: {  	[sflag:s0] =	ssyncadd.remote.s32 $0x1  }
0xc6: {  	_ =	sfence.sel $0xFFFF  }
0xc7: {  	[dreg:$0x0] =	wrdreg $0xFFFFFFFF;
	(pc) =	sbr.abs _section_cstart, $3  }
0xc8: {  	[dreg:$0x1] =	wrdreg $0xFFFFFFFF  }
0xc9: {  	_ =	task.clear_ibuf [dreg:s9], $0x2FFFF;
	_ =	strace $0x9FFFFFFF  }
0xca: {  	(tm) =	ssettm $0x7FFFFFFF  }
0xcb: {  	_ =	shalt  }
tec
execute0_lowered:
.L_overlay_start_1:
0x0: {  	(tag) =	ssettag $0x1  }
0x1: {  	s7 =	rddreg [dreg:$0x0]  }
0x2: {  	s5 =	rddreg [dreg:$0x1]  }
0x3: {  	s11 =	rddreg [dreg:$0x2]  }
0x4: {  	s1 =	srdreg.scid;
	s0 =	stileid.u32  }
0x5: {  	s2 =	rddreg [dreg:$0x3];
	s15 =	simm.s32 $0x2800;
	s16 =	simm.s32 $0x4F10  }
0x6: {  	s17 =	simm.s32 $0xCC10;
	s18 =	simm.s32 $0x1;
	s19 =	simm.s32 $0x7D0  }
0x7: {  	s20 =	simm.s32 $0x2;
	s21 =	simm.s32 $0x2FD0;
	s22 =	simm.s32 $0x37A0  }
0x8: {  	s23 =	simm.s32 $0x3F70;
	s24 =	simm.s32 $0x4740;
	s25 =	simm.s32 $0x0  }
0x9: {  	s6 =	sand.u32 $0x1, s1;
	s3 =	sshll.u32 s0, $0x1;
	s9 =	smul.u32 $0x2800, s0  }
0xa: {  	s1 =	rddreg [dreg:$0x4];
	s4 =	sor.u32 s6, s3;
	s14 =	smul.u32 $0x28000, s6  }
0xb: {  	s3 =	simm.s32 $0x0;
	s8 =	ssub.s32 $0x2, s6;
	s10 =	smul.u32 $0x4E2, s4  }
0xc: {  	[smem:$0x7FF] =	sst s3;
	s12 =	sshrl.u32 s8, $0x1;
	s13 =	smul.u32 $0x27100, s4  }
0xd: {  	s29 =	smul.u32 $0x4E20, s4;
	s4 =	sadd.s32 s9, s2;
	_ =	strace $0x80000047  }
0xe: {  	s12 =	ssub.s32 s8, s12;
	s31 =	sadd.s32 s9, s14;
	s14 =	simm.s32 $0x3  }
0xf: {  	s13 =	sshrl.u32 s13, $0x3;
	s5 =	sadd.s32 s5, s10;
	s6 =	sadd.s32 s7, s29  }
0x10: {  	s12 =	smax.u32 s12, $0x1;
	s30 =	sadd.s32 s7, s13;
	s13 =	sshrl.u32 s31, $0x3  }
0x11: {  	s7 =	sadd.s32 $0xFA0, s30;
	s8 =	sadd.s32 $0x1F40, s30;
	s9 =	sadd.s32 $0x2EE0, s30  }
0x12: {  	v0 =	vimm.f32 $0.0e+00;
	s10 =	sadd.s32 $0x3E80, s30;
	s11 =	sadd.s32 s11, s13;
	s13 =	simm.s32 $0x14910  }
.LBB2_1:
0x13: {  	s26 =	simm.s32 $0x40;
	s28 =	simm.s32 $0x0  }
.LBB2_2:
0x14: {  	p0 =	sne.s32 s26, $0x9FC0;
	[tilespmem:s28+$0x14910] =	vst v0;
	s28 =	smov.u32 s26;
	s26 =	sadd.s32 $0x40, s26  }
.Ltmp0:
0x15: {  	(pc) =	sbr.rel @p0 .LBB2_2-.Ltmp0, $2  }
0x16: {  	_ =	sdelay $0x2  }
0x17: {  	s28 =	sshra.s32 s28, $0x2  }
0x18: {  	[tilespmem:s28+$0x14910] =	vst v0  }
0x19: {  	[spmem:s4] =	stream.linear.scatter [tilespmem:s13], [sflag:$0x3], $0x2800, $0x38;
	[tilespmem:$0x17110] =	vst v63  }
0x1a: {  	_ =	swait.ge [sflag:s14], $0x2800  }
0x1b: {  	[sflag:s14] =	ssyncset.done $0x0  }
0x1c: {  	[sflag:s14] =	ssyncadd.s32 $0xFFFFD800  }
0x1d: {  	[bflag:$0x0] =	sbarrier.arrive $0xFFFF  }
0x1e: {  	[tilespmem:s15], [sflag:$0x3] =	stream.linear.gather [hbm4b:s5+s3], $0x2710, $0x38;
	[tilespmem:$0x17110] =	vst v63  }
0x1f: {  	_ =	swait.ge [sflag:s14], $0x2710  }
0x20: {  	[sflag:s14] =	ssyncset.done $0x0  }
0x21: {  	[sflag:s14] =	ssyncadd.s32 $0xFFFFD8F0  }
0x22: {  	[tilespmem:s16], [sflag:$0x1] =	stream.linear.gather [hbm4b:s6+s3], $0x7D00, $0x38;
	[tilespmem:$0x17110] =	vst v63  }
0x23: {  	_ = 	snop  }
0x24: {  	[tilespmem:s17], [sflag:$0x2] =	stream.linear.gather [hbm4b:s7+s3], $0x7D00, $0x38;
	[tilespmem:$0x17110] =	vst v63  }
0x25: {  	_ =	swait.ge [sflag:s18], $0x7D00  }
0x26: {  	[sflag:s18] =	ssyncset.done $0x0  }
0x27: {  	[sflag:s18] =	ssyncadd.s32 $0xFFFF8300  }
0x28: {  	[spmem:s2] =	stream.indirect.scatter.add.f32 [tilespmem:s16], [sflag:$0x3], $0x10, s15, s19, $0xb8;
	[tilespmem:$0x17110] =	vst v63  }
0x29: {  	_ =	swait.ge [sflag:s14], $0x7D00  }
0x2a: {  	[sflag:s14] =	ssyncset.done $0x0  }
0x2b: {  	[sflag:s14] =	ssyncadd.s32 $0xFFFF8300  }
0x2c: {  	[tilespmem:s16], [sflag:$0x1] =	stream.linear.gather [hbm4b:s8+s3], $0x7D00, $0x38;
	[tilespmem:$0x17110] =	vst v63  }
0x2d: {  	_ =	swait.ge [sflag:s20], $0x7D00  }
0x2e: {  	[sflag:s20] =	ssyncset.done $0x0  }
0x2f: {  	[sflag:s20] =	ssyncadd.s32 $0xFFFF8300  }
0x30: {  	[spmem:s2] =	stream.indirect.scatter.add.f32 [tilespmem:s17], [sflag:$0x3], $0x10, s21, s19, $0xb8;
	[tilespmem:$0x17110] =	vst v63  }
0x31: {  	_ =	swait.ge [sflag:s14], $0x7D00  }
0x32: {  	[sflag:s14] =	ssyncset.done $0x0  }
0x33: {  	[sflag:s14] =	ssyncadd.s32 $0xFFFF8300  }
0x34: {  	[tilespmem:s17], [sflag:$0x2] =	stream.linear.gather [hbm4b:s9+s3], $0x7D00, $0x38;
	[tilespmem:$0x17110] =	vst v63  }
0x35: {  	_ =	swait.ge [sflag:s18], $0x7D00  }
0x36: {  	[sflag:s18] =	ssyncset.done $0x0  }
0x37: {  	[sflag:s18] =	ssyncadd.s32 $0xFFFF8300  }
0x38: {  	[spmem:s2] =	stream.indirect.scatter.add.f32 [tilespmem:s16], [sflag:$0x3], $0x10, s22, s19, $0xb8;
	[tilespmem:$0x17110] =	vst v63  }
0x39: {  	_ =	swait.ge [sflag:s14], $0x7D00  }
0x3a: {  	[sflag:s14] =	ssyncset.done $0x0  }
0x3b: {  	[sflag:s14] =	ssyncadd.s32 $0xFFFF8300  }
0x3c: {  	[tilespmem:s16], [sflag:$0x1] =	stream.linear.gather [hbm4b:s10+s3], $0x7D00, $0x38;
	[tilespmem:$0x17110] =	vst v63  }
0x3d: {  	_ =	swait.ge [sflag:s20], $0x7D00  }
0x3e: {  	[sflag:s20] =	ssyncset.done $0x0  }
0x3f: {  	[sflag:s20] =	ssyncadd.s32 $0xFFFF8300  }
0x40: {  	[spmem:s2] =	stream.indirect.scatter.add.f32 [tilespmem:s17], [sflag:$0x3], $0x10, s23, s19, $0xb8;
	[tilespmem:$0x17110] =	vst v63  }
0x41: {  	_ =	swait.ge [sflag:s14], $0x7D00  }
0x42: {  	[sflag:s14] =	ssyncset.done $0x0  }
0x43: {  	[sflag:s14] =	ssyncadd.s32 $0xFFFF8300  }
0x44: {  	_ =	swait.ge [sflag:s18], $0x7D00  }
0x45: {  	[sflag:s18] =	ssyncset.done $0x0  }
0x46: {  	[sflag:s18] =	ssyncadd.s32 $0xFFFF8300  }
0x47: {  	[spmem:s2] =	stream.indirect.scatter.add.f32 [tilespmem:s16], [sflag:$0x3], $0x10, s24, s19, $0xb8;
	[tilespmem:$0x17110] =	vst v63  }
0x48: {  	_ =	swait.ge [sflag:s14], $0x7D00  }
0x49: {  	[sflag:s14] =	ssyncset.done $0x0  }
0x4a: {  	[sflag:s14] =	ssyncadd.s32 $0xFFFF8300  }
0x4b: {  	[bflag:$0x0] =	sbarrier.arrive $0xFFFF  }
0x4c: {  	[tilespmem:s13], [sflag:$0x3] =	stream.linear.gather [spmem:s4], $0x2800, $0x38;
	[tilespmem:$0x17110] =	vst v63  }
0x4d: {  	s25 =	sadd.s32 $0x1, s25;
	_ =	swait.ge [sflag:s14], $0x2800  }
0x4e: {  	p0 =	sne.s32 s25, s12;
	[sflag:s14] =	ssyncset.done $0x0  }
.Ltmp1:
0x4f: {  	[sflag:s14] =	ssyncadd.s32 $0xFFFFD800;
	(pc) =	sbr.rel @p0 .LBB2_1-.Ltmp1, $4  }
0x50: {  	[hbm4b:s11+s3] =	stream.linear.scatter [tilespmem:s13], [sflag:$0x3], $0x2800, $0x38;
	[tilespmem:$0x17110] =	vst v63  }
0x51: {  	_ =	swait.ge [sflag:s14], $0x2800  }
0x52: {  	[sflag:s14] =	ssyncset.done $0x0  }
0x53: {  	[sflag:s14] =	ssyncadd.s32 $0xFFFFD800  }
0x54: {  	_ =	sfence.sel $0x180000  }
0x55: {  	[bflag:$0x0] =	sbarrier.arrive $0xFFFF  }
0x56: {  	p0 =	sne.s32 s0, $0x0;
	_ =	strace $0x90000047  }
0x57: {  	s0 =	sadd.s32 @!p0 $0x100000, s1;
	[bflag:$0x2] =	sbarrier.arrive $0xFFFF  }
0x58: {  	[sflag:s0] =	ssyncadd.tile.s32 @!p0 $0x1;
	_ =	shalt  }
.Lfunc_end2:
_tile_overlayer_lowered:
.L_overlay_start_2:
0x59: {  	(tag) =	ssettag $0x2  }
0x5a: {  	s0 =	rddreg [dreg:$0x0];
	s2 =	stileid.u32  }
0x5b: {  	s1 =	rddreg [dreg:$0x1];
	p0 =	sne.s32 s2, $0x0  }
0x5c: {  	s3 =	rddreg [dreg:$0x2];
	[bflag:$0x3] =	sbarrier.arrive $0xFFFF;
	s2 =	simm.s32 @!p0 $0x1C03  }
0x5d: {  	[timem:s3], [sflag:s2] =	dma.local @!p0 [hbm:s0], s1  }
0x5e: {  	s0 =	simm.s32 @!p0 $0x3  }
0x5f: {  	_ =	swait.ge @!p0 [sflag:s0], s1  }
0x60: {  	s1 =	ssub.s32 @!p0 $0x0, s1;
	[sflag:s0] =	ssyncset.done @!p0 $0x0  }
0x61: {  	[sflag:s0] =	ssyncadd.s32 @!p0 s1  }
0x62: {  	[bflag:$0x3] =	sbarrier.arrive $0xFFFF  }
0x63: {  	_ =	shalt  }

</sc_bundles>
